<compile_context>
chip_gen: v7x
topology: tpu7x:2x2x1
jax: 0.10.2.dev20260603
libtpu: 0.0.44.dev20260713+nightly
codegen_flags: <defaults>
</compile_context>

<pallas_src>
import functools

import jax
import jax.numpy as jnp
from jax import lax
from jax.experimental import pallas as pl
from jax.experimental.pallas import tpu as pltpu
from jax.experimental.pallas import tpu_sc as plsc

_VOCAB = 1000000
_SEQ = 2048
_EMBD = 64
_BATCH = 16
_N = _BATCH * _SEQ
_NC, _NS = 2, 16
_NW = _NC * _NS
_PER_W = _N // _NW
_CHUNK = 128
_HALF = _PER_W // 2
_CPH = _HALF // _CHUNK


def _body(tok_hbm, table_hbm, pos_hbm, out_hbm, idx_v, rows_v, pos_v, sem):
    wid = lax.axis_index("s") * _NC + lax.axis_index("c")
    base = wid * _PER_W
    pos_base = base % _SEQ

    pltpu.sync_copy(tok_hbm.at[pl.ds(wid * (_PER_W // _CHUNK), _PER_W // _CHUNK)],
                    idx_v)

    for h in range(2):
        row0 = h * _HALF
        copies = []
        for c in range(_CPH):
            cp = pltpu.make_async_copy(
                table_hbm.at[idx_v.at[h * _CPH + c]],
                rows_v.at[pl.ds(c * _CHUNK, _CHUNK)],
                sem,
            )
            cp.start()
            copies.append(cp)
        pltpu.sync_copy(pos_hbm.at[pl.ds(pos_base + row0, _HALF)], pos_v)
        for cp in copies:
            cp.wait()

        def add_row(i, carry):
            for j in range(_EMBD // 16):
                sl = pl.ds(j * 16, 16)
                rows_v[i, sl] = rows_v[i, sl] + pos_v[i, sl]
            return carry

        lax.fori_loop(0, _HALF, add_row, 0)
        pltpu.sync_copy(rows_v, out_hbm.at[pl.ds(base + row0, _HALF)])


@jax.jit
def _embed(tok2d, table, pos):
    mesh = plsc.VectorSubcoreMesh(core_axis_name="c", subcore_axis_name="s",
                                  num_cores=_NC, num_subcores=_NS)
    run = pl.kernel(
        _body,
        out_type=jax.ShapeDtypeStruct((_N, _EMBD), jnp.float32),
        mesh=mesh,
        scratch_types=[
            pltpu.VMEM((_PER_W // _CHUNK, _CHUNK), jnp.int32),
            pltpu.VMEM((_HALF, _EMBD), jnp.float32),
            pltpu.VMEM((_HALF, _EMBD), jnp.float32),
            pltpu.SemaphoreType.DMA,
        ],
        compiler_params=pltpu.CompilerParams(use_tc_tiling_on_sc=False),
    )
    return run(tok2d, table, pos)


def kernel(token_ids, token_table, pos_table):
    tok2d = token_ids.astype(jnp.int32).reshape(_N // _CHUNK, _CHUNK)
    out = _embed(tok2d, token_table, pos_table)
    return out.reshape(_BATCH, _SEQ, _EMBD)

# --- scband reference (transcript-rebuilt; emitter-appended) ---
"""Pipeline reference for scband-embeddings-63848983822634 (READ-ONLY COPY).

The authoritative reference and input builder live on the scoring server;
editing this copy changes nothing except your own understanding.
"""

import jax, jax.numpy as jnp
import numpy as np

VOCAB_SIZE = 1000000
BLOCK_SIZE = 2048
N_EMBD = 64
BATCH = 16
SEQ_LEN = 2048


def setup_inputs(seed: int = 0) -> dict:
    key = jax.random.key(seed)
    k1, k2, k3 = jax.random.split(key, 3)
    token_ids = jax.random.randint(k1, (BATCH, SEQ_LEN), 0, VOCAB_SIZE, dtype=jnp.int64 if jax.config.jax_enable_x64 else jnp.int32)
    token_table = jax.random.normal(k2, (VOCAB_SIZE, N_EMBD), dtype=jnp.float32) * 0.02
    pos_table = jax.random.normal(k3, (BLOCK_SIZE, N_EMBD), dtype=jnp.float32) * 0.02
    return {"token_ids": token_ids, "token_table": token_table, "pos_table": pos_table}


def reference(token_ids, token_table, pos_table):
    batch_size, seq_len = token_ids.shape
    # Token embedding lookup: gather rows from the big table
    tok_emb = jnp.take(token_table, token_ids, axis=0)  # (B, S, n_embd)
    # Positional embedding lookup
    pos = jnp.arange(seq_len)
    pos_emb = jnp.take(pos_table, pos, axis=0)  # (S, n_embd)
    embeddings = tok_emb + pos_emb[None, :, :]
    return embeddings

if __name__ == "__main__":
    import jax
    _d = setup_inputs()
    print(jax.jit(kernel)(*tuple(_d.values())))

</pallas_src>

<mosaic_0001>
#map = affine_map<(d0, d1) -> (0, 0)>
module attributes {stable_mosaic.version = 14 : i64} {
  func.func @_body(%arg0: i32, %arg1: i32, %arg2: memref<256x128xi32, #tpu.memory_space<hbm>>, %arg3: memref<1000000x64xf32, #tpu.memory_space<hbm>>, %arg4: memref<2048x64xf32, #tpu.memory_space<hbm>>, %arg5: memref<32768x64xf32, #tpu.memory_space<hbm>>, %arg6: memref<8x128xi32, #tpu.memory_space<vmem>>, %arg7: memref<512x64xf32, #tpu.memory_space<vmem>>, %arg8: memref<512x64xf32, #tpu.memory_space<vmem>>, %arg9: memref<!tpu.dma_semaphore, #tpu.memory_space<semaphore_mem>>) attributes {dimension_semantics = [#tpu.dimension_semantics<core_parallel>, #tpu.dimension_semantics<subcore_parallel>], iteration_bounds = array<i64: 2, 16>, scalar_prefetch = 0 : i64, scratch_operands = 4 : i64, tpu.core_type = #tpu.core_type<sc_vector_subcore>, window_params = [{transform_indices = #map}, {transform_indices = #map}, {transform_indices = #map}, {transform_indices = #map}]} {
    %mul3A = arith.constant 2 : i32
    %mul3A_0 = arith.muli %arg1, %mul3A : i32
    %add3A = arith.addi %mul3A_0, %arg0 : i32
    %mul3A_1 = arith.constant 1024 : i32
    %mul3A_2 = arith.muli %add3A, %mul3A_1 : i32
    %jit3A = arith.constant 2048 : i32
    %eq3A = arith.constant 0 : i32
    %eq3A_3 = arith.cmpi eq, %jit3A, %eq3A : i32
    %jit3A_4 = arith.constant 1 : i32
    %select_n3A = arith.select %eq3A_3, %jit3A_4, %jit3A : i32
    %rem3A = arith.remsi %mul3A_2, %select_n3A : i32
    %ne3A = arith.constant 0 : i32
    %ne3A_5 = arith.cmpi ne, %rem3A, %ne3A : i32
    %lt3A = arith.constant 0 : i32
    %lt3A_6 = arith.cmpi slt, %rem3A, %lt3A : i32
    %lt3A_7 = arith.constant 0 : i32
    %lt3A_8 = arith.cmpi slt, %select_n3A, %lt3A_7 : i32
    %ne3A_9 = arith.xori %lt3A_6, %lt3A_8 : i1
    %and3A = arith.andi %ne3A_9, %ne3A_5 : i1
    %add3A_10 = arith.addi %rem3A, %select_n3A : i32
    %select_n3A_11 = arith.select %and3A, %add3A_10, %rem3A : i32
    %mul3A_12 = arith.constant 8 : i32
    %mul3A_13 = arith.muli %add3A, %mul3A_12 : i32
    "tpu.region"() ({
      %run_scoped3A = tpu.sem_alloc : memref<!tpu.dma_semaphore, #tpu.memory_space<semaphore_mem>>
      %dma_start3A_191 = arith.constant 0 : i32
      %dma_start3A_192 = tpu.memref_slice %arg2[%mul3A_13, %dma_start3A_191] : memref<256x128xi32, #tpu.memory_space<hbm>> -> memref<8x128xi32, #tpu.memory_space<hbm>>
      %dma_start3A_193 = arith.constant 0 : i32
      %dma_start3A_194 = tpu.memref_slice %arg2[%mul3A_13, %dma_start3A_193] : memref<256x128xi32, #tpu.memory_space<hbm>> -> memref<8x128xi32, #tpu.memory_space<hbm>>
      tpu.enqueue_dma source(%dma_start3A_194 : memref<8x128xi32, #tpu.memory_space<hbm>>) target(%arg6 : memref<8x128xi32, #tpu.memory_space<vmem>>) target_semaphore(%run_scoped3A : memref<!tpu.dma_semaphore, #tpu.memory_space<semaphore_mem>>)
      %dma_wait3A_195 = arith.constant 0 : i32
      %dma_wait3A_196 = tpu.memref_slice %arg2[%mul3A_13, %dma_wait3A_195] : memref<256x128xi32, #tpu.memory_space<hbm>> -> memref<8x128xi32, #tpu.memory_space<hbm>>
      %dma_wait3A_197 = arith.constant 0 : i32
      %dma_wait3A_198 = tpu.memref_slice %arg2[%mul3A_13, %dma_wait3A_197] : memref<256x128xi32, #tpu.memory_space<hbm>> -> memref<8x128xi32, #tpu.memory_space<hbm>>
      tpu.wait_dma2 semaphore(%run_scoped3A : memref<!tpu.dma_semaphore, #tpu.memory_space<semaphore_mem>>) src(%dma_wait3A_198 : memref<8x128xi32, #tpu.memory_space<hbm>>) dst(%arg6 : memref<8x128xi32, #tpu.memory_space<vmem>>)
      tpu.yield
    }) : () -> ()
    %dma_start3A = arith.constant 0 : i32
    %dma_start3A_14 = arith.constant 0 : i32
    %dma_start3A_15 = arith.constant 0 : i32
    %dma_start3A_16 = tpu.memref_slice %arg7[%dma_start3A_14, %dma_start3A_15] : memref<512x64xf32, #tpu.memory_space<vmem>> -> memref<128x64xf32, #tpu.memory_space<vmem>>
    %dma_start3A_17 = arith.constant 0 : i32
    %dma_start3A_18 = tpu.memref_slice %arg6[%dma_start3A, %dma_start3A_17] : memref<8x128xi32, #tpu.memory_space<vmem>> -> memref<1x128xi32, #tpu.memory_space<vmem>>
    %dma_start3A_19 = tpu.memref_squeeze %dma_start3A_18 : memref<1x128xi32, #tpu.memory_space<vmem>> -> memref<128xi32, #tpu.memory_space<vmem>>
    %dma_start3A_20 = arith.constant 0 : i32
    %dma_start3A_21 = arith.constant 0 : i32
    %dma_start3A_22 = tpu.memref_slice %arg3[%dma_start3A_20, %dma_start3A_21] : memref<1000000x64xf32, #tpu.memory_space<hbm>> -> memref<1000000x64xf32, #tpu.memory_space<hbm>>
    tpu.enqueue_indirect_dma source(%dma_start3A_22 : memref<1000000x64xf32, #tpu.memory_space<hbm>>) target(%dma_start3A_16 : memref<128x64xf32, #tpu.memory_space<vmem>>) offsets(%dma_start3A_19 : memref<128xi32, #tpu.memory_space<vmem>>) semaphore(%arg9 : memref<!tpu.dma_semaphore, #tpu.memory_space<semaphore_mem>>)
    %dma_start3A_23 = arith.constant 1 : i32
    %dma_start3A_24 = arith.constant 128 : i32
    %dma_start3A_25 = arith.constant 0 : i32
    %dma_start3A_26 = tpu.memref_slice %arg7[%dma_start3A_24, %dma_start3A_25] : memref<512x64xf32, #tpu.memory_space<vmem>> -> memref<128x64xf32, #tpu.memory_space<vmem>>
    %dma_start3A_27 = arith.constant 0 : i32
    %dma_start3A_28 = tpu.memref_slice %arg6[%dma_start3A_23, %dma_start3A_27] : memref<8x128xi32, #tpu.memory_space<vmem>> -> memref<1x128xi32, #tpu.memory_space<vmem>>
    %dma_start3A_29 = tpu.memref_squeeze %dma_start3A_28 : memref<1x128xi32, #tpu.memory_space<vmem>> -> memref<128xi32, #tpu.memory_space<vmem>>
    %dma_start3A_30 = arith.constant 0 : i32
    %dma_start3A_31 = arith.constant 0 : i32
    %dma_start3A_32 = tpu.memref_slice %arg3[%dma_start3A_30, %dma_start3A_31] : memref<1000000x64xf32, #tpu.memory_space<hbm>> -> memref<1000000x64xf32, #tpu.memory_space<hbm>>
    tpu.enqueue_indirect_dma source(%dma_start3A_32 : memref<1000000x64xf32, #tpu.memory_space<hbm>>) target(%dma_start3A_26 : memref<128x64xf32, #tpu.memory_space<vmem>>) offsets(%dma_start3A_29 : memref<128xi32, #tpu.memory_space<vmem>>) semaphore(%arg9 : memref<!tpu.dma_semaphore, #tpu.memory_space<semaphore_mem>>)
    %dma_start3A_33 = arith.constant 2 : i32
    %dma_start3A_34 = arith.constant 256 : i32
    %dma_start3A_35 = arith.constant 0 : i32
    %dma_start3A_36 = tpu.memref_slice %arg7[%dma_start3A_34, %dma_start3A_35] : memref<512x64xf32, #tpu.memory_space<vmem>> -> memref<128x64xf32, #tpu.memory_space<vmem>>
    %dma_start3A_37 = arith.constant 0 : i32
    %dma_start3A_38 = tpu.memref_slice %arg6[%dma_start3A_33, %dma_start3A_37] : memref<8x128xi32, #tpu.memory_space<vmem>> -> memref<1x128xi32, #tpu.memory_space<vmem>>
    %dma_start3A_39 = tpu.memref_squeeze %dma_start3A_38 : memref<1x128xi32, #tpu.memory_space<vmem>> -> memref<128xi32, #tpu.memory_space<vmem>>
    %dma_start3A_40 = arith.constant 0 : i32
    %dma_start3A_41 = arith.constant 0 : i32
    %dma_start3A_42 = tpu.memref_slice %arg3[%dma_start3A_40, %dma_start3A_41] : memref<1000000x64xf32, #tpu.memory_space<hbm>> -> memref<1000000x64xf32, #tpu.memory_space<hbm>>
    tpu.enqueue_indirect_dma source(%dma_start3A_42 : memref<1000000x64xf32, #tpu.memory_space<hbm>>) target(%dma_start3A_36 : memref<128x64xf32, #tpu.memory_space<vmem>>) offsets(%dma_start3A_39 : memref<128xi32, #tpu.memory_space<vmem>>) semaphore(%arg9 : memref<!tpu.dma_semaphore, #tpu.memory_space<semaphore_mem>>)
    %dma_start3A_43 = arith.constant 3 : i32
    %dma_start3A_44 = arith.constant 384 : i32
    %dma_start3A_45 = arith.constant 0 : i32
    %dma_start3A_46 = tpu.memref_slice %arg7[%dma_start3A_44, %dma_start3A_45] : memref<512x64xf32, #tpu.memory_space<vmem>> -> memref<128x64xf32, #tpu.memory_space<vmem>>
    %dma_start3A_47 = arith.constant 0 : i32
    %dma_start3A_48 = tpu.memref_slice %arg6[%dma_start3A_43, %dma_start3A_47] : memref<8x128xi32, #tpu.memory_space<vmem>> -> memref<1x128xi32, #tpu.memory_space<vmem>>
    %dma_start3A_49 = tpu.memref_squeeze %dma_start3A_48 : memref<1x128xi32, #tpu.memory_space<vmem>> -> memref<128xi32, #tpu.memory_space<vmem>>
    %dma_start3A_50 = arith.constant 0 : i32
    %dma_start3A_51 = arith.constant 0 : i32
    %dma_start3A_52 = tpu.memref_slice %arg3[%dma_start3A_50, %dma_start3A_51] : memref<1000000x64xf32, #tpu.memory_space<hbm>> -> memref<1000000x64xf32, #tpu.memory_space<hbm>>
    tpu.enqueue_indirect_dma source(%dma_start3A_52 : memref<1000000x64xf32, #tpu.memory_space<hbm>>) target(%dma_start3A_46 : memref<128x64xf32, #tpu.memory_space<vmem>>) offsets(%dma_start3A_49 : memref<128xi32, #tpu.memory_space<vmem>>) semaphore(%arg9 : memref<!tpu.dma_semaphore, #tpu.memory_space<semaphore_mem>>)
    %add3A_53 = arith.constant 0 : i32
    %add3A_54 = arith.addi %select_n3A_11, %add3A_53 : i32
    "tpu.region"() ({
      %run_scoped3A = tpu.sem_alloc : memref<!tpu.dma_semaphore, #tpu.memory_space<semaphore_mem>>
      %dma_start3A_191 = arith.constant 0 : i32
      %dma_start3A_192 = tpu.memref_slice %arg4[%add3A_54, %dma_start3A_191] : memref<2048x64xf32, #tpu.memory_space<hbm>> -> memref<512x64xf32, #tpu.memory_space<hbm>>
      %dma_start3A_193 = arith.constant 0 : i32
      %dma_start3A_194 = tpu.memref_slice %arg4[%add3A_54, %dma_start3A_193] : memref<2048x64xf32, #tpu.memory_space<hbm>> -> memref<512x64xf32, #tpu.memory_space<hbm>>
      tpu.enqueue_dma source(%dma_start3A_194 : memref<512x64xf32, #tpu.memory_space<hbm>>) target(%arg8 : memref<512x64xf32, #tpu.memory_space<vmem>>) target_semaphore(%run_scoped3A : memref<!tpu.dma_semaphore, #tpu.memory_space<semaphore_mem>>)
      %dma_wait3A_195 = arith.constant 0 : i32
      %dma_wait3A_196 = tpu.memref_slice %arg4[%add3A_54, %dma_wait3A_195] : memref<2048x64xf32, #tpu.memory_space<hbm>> -> memref<512x64xf32, #tpu.memory_space<hbm>>
      %dma_wait3A_197 = arith.constant 0 : i32
      %dma_wait3A_198 = tpu.memref_slice %arg4[%add3A_54, %dma_wait3A_197] : memref<2048x64xf32, #tpu.memory_space<hbm>> -> memref<512x64xf32, #tpu.memory_space<hbm>>
      tpu.wait_dma2 semaphore(%run_scoped3A : memref<!tpu.dma_semaphore, #tpu.memory_space<semaphore_mem>>) src(%dma_wait3A_198 : memref<512x64xf32, #tpu.memory_space<hbm>>) dst(%arg8 : memref<512x64xf32, #tpu.memory_space<vmem>>)
      tpu.yield
    }) : () -> ()
    %dma_wait3A = arith.constant 0 : i32
    %dma_wait3A_55 = arith.constant 0 : i32
    %dma_wait3A_56 = arith.constant 0 : i32
    %dma_wait3A_57 = tpu.memref_slice %arg7[%dma_wait3A_55, %dma_wait3A_56] : memref<512x64xf32, #tpu.memory_space<vmem>> -> memref<128x64xf32, #tpu.memory_space<vmem>>
    %dma_wait3A_58 = arith.constant 0 : i32
    %dma_wait3A_59 = tpu.memref_slice %arg6[%dma_wait3A, %dma_wait3A_58] : memref<8x128xi32, #tpu.memory_space<vmem>> -> memref<1x128xi32, #tpu.memory_space<vmem>>
    %dma_wait3A_60 = tpu.memref_squeeze %dma_wait3A_59 : memref<1x128xi32, #tpu.memory_space<vmem>> -> memref<128xi32, #tpu.memory_space<vmem>>
    %dma_wait3A_61 = arith.constant 0 : i32
    %dma_wait3A_62 = arith.constant 0 : i32
    %dma_wait3A_63 = tpu.memref_slice %arg3[%dma_wait3A_61, %dma_wait3A_62] : memref<1000000x64xf32, #tpu.memory_space<hbm>> -> memref<1000000x64xf32, #tpu.memory_space<hbm>>
    tpu.wait_indirect_dma semaphore(%arg9 : memref<!tpu.dma_semaphore, #tpu.memory_space<semaphore_mem>>) src(%dma_wait3A_63 : memref<1000000x64xf32, #tpu.memory_space<hbm>>) dst(%dma_wait3A_57 : memref<128x64xf32, #tpu.memory_space<vmem>>)
    %dma_wait3A_64 = arith.constant 1 : i32
    %dma_wait3A_65 = arith.constant 128 : i32
    %dma_wait3A_66 = arith.constant 0 : i32
    %dma_wait3A_67 = tpu.memref_slice %arg7[%dma_wait3A_65, %dma_wait3A_66] : memref<512x64xf32, #tpu.memory_space<vmem>> -> memref<128x64xf32, #tpu.memory_space<vmem>>
    %dma_wait3A_68 = arith.constant 0 : i32
    %dma_wait3A_69 = tpu.memref_slice %arg6[%dma_wait3A_64, %dma_wait3A_68] : memref<8x128xi32, #tpu.memory_space<vmem>> -> memref<1x128xi32, #tpu.memory_space<vmem>>
    %dma_wait3A_70 = tpu.memref_squeeze %dma_wait3A_69 : memref<1x128xi32, #tpu.memory_space<vmem>> -> memref<128xi32, #tpu.memory_space<vmem>>
    %dma_wait3A_71 = arith.constant 0 : i32
    %dma_wait3A_72 = arith.constant 0 : i32
    %dma_wait3A_73 = tpu.memref_slice %arg3[%dma_wait3A_71, %dma_wait3A_72] : memref<1000000x64xf32, #tpu.memory_space<hbm>> -> memref<1000000x64xf32, #tpu.memory_space<hbm>>
    tpu.wait_indirect_dma semaphore(%arg9 : memref<!tpu.dma_semaphore, #tpu.memory_space<semaphore_mem>>) src(%dma_wait3A_73 : memref<1000000x64xf32, #tpu.memory_space<hbm>>) dst(%dma_wait3A_67 : memref<128x64xf32, #tpu.memory_space<vmem>>)
    %dma_wait3A_74 = arith.constant 2 : i32
    %dma_wait3A_75 = arith.constant 256 : i32
    %dma_wait3A_76 = arith.constant 0 : i32
    %dma_wait3A_77 = tpu.memref_slice %arg7[%dma_wait3A_75, %dma_wait3A_76] : memref<512x64xf32, #tpu.memory_space<vmem>> -> memref<128x64xf32, #tpu.memory_space<vmem>>
    %dma_wait3A_78 = arith.constant 0 : i32
    %dma_wait3A_79 = tpu.memref_slice %arg6[%dma_wait3A_74, %dma_wait3A_78] : memref<8x128xi32, #tpu.memory_space<vmem>> -> memref<1x128xi32, #tpu.memory_space<vmem>>
    %dma_wait3A_80 = tpu.memref_squeeze %dma_wait3A_79 : memref<1x128xi32, #tpu.memory_space<vmem>> -> memref<128xi32, #tpu.memory_space<vmem>>
    %dma_wait3A_81 = arith.constant 0 : i32
    %dma_wait3A_82 = arith.constant 0 : i32
    %dma_wait3A_83 = tpu.memref_slice %arg3[%dma_wait3A_81, %dma_wait3A_82] : memref<1000000x64xf32, #tpu.memory_space<hbm>> -> memref<1000000x64xf32, #tpu.memory_space<hbm>>
    tpu.wait_indirect_dma semaphore(%arg9 : memref<!tpu.dma_semaphore, #tpu.memory_space<semaphore_mem>>) src(%dma_wait3A_83 : memref<1000000x64xf32, #tpu.memory_space<hbm>>) dst(%dma_wait3A_77 : memref<128x64xf32, #tpu.memory_space<vmem>>)
    %dma_wait3A_84 = arith.constant 3 : i32
    %dma_wait3A_85 = arith.constant 384 : i32
    %dma_wait3A_86 = arith.constant 0 : i32
    %dma_wait3A_87 = tpu.memref_slice %arg7[%dma_wait3A_85, %dma_wait3A_86] : memref<512x64xf32, #tpu.memory_space<vmem>> -> memref<128x64xf32, #tpu.memory_space<vmem>>
    %dma_wait3A_88 = arith.constant 0 : i32
    %dma_wait3A_89 = tpu.memref_slice %arg6[%dma_wait3A_84, %dma_wait3A_88] : memref<8x128xi32, #tpu.memory_space<vmem>> -> memref<1x128xi32, #tpu.memory_space<vmem>>
    %dma_wait3A_90 = tpu.memref_squeeze %dma_wait3A_89 : memref<1x128xi32, #tpu.memory_space<vmem>> -> memref<128xi32, #tpu.memory_space<vmem>>
    %dma_wait3A_91 = arith.constant 0 : i32
    %dma_wait3A_92 = arith.constant 0 : i32
    %dma_wait3A_93 = tpu.memref_slice %arg3[%dma_wait3A_91, %dma_wait3A_92] : memref<1000000x64xf32, #tpu.memory_space<hbm>> -> memref<1000000x64xf32, #tpu.memory_space<hbm>>
    tpu.wait_indirect_dma semaphore(%arg9 : memref<!tpu.dma_semaphore, #tpu.memory_space<semaphore_mem>>) src(%dma_wait3A_93 : memref<1000000x64xf32, #tpu.memory_space<hbm>>) dst(%dma_wait3A_87 : memref<128x64xf32, #tpu.memory_space<vmem>>)
    %scan3A = arith.constant 0 : i32
    %scan3A_94 = arith.constant 0 : i32
    %scan3A_95 = arith.constant 512 : i32
    %scan3A_96 = arith.addi %scan3A_94, %scan3A_95 : i32
    %scan3A_97 = arith.constant 1 : i32
    scf.for %scan3A_191 = %scan3A_94 to %scan3A_96 step %scan3A_97  : i32 {
      %get3A = arith.index_cast %scan3A_191 : i32 to index
      %get3A_192 = arith.constant 0 : index
      %get3A_193 = tpu.vector_load %arg7[%get3A, %get3A_192] {strides = array<i32>} : memref<512x64xf32, #tpu.memory_space<vmem>>, vector<1x16xf32>,
      %get3A_194 = vector.shape_cast %get3A_193 : vector<1x16xf32> to vector<16xf32>
      %get3A_195 = arith.index_cast %scan3A_191 : i32 to index
      %get3A_196 = arith.constant 0 : index
      %get3A_197 = tpu.vector_load %arg8[%get3A_195, %get3A_196] {strides = array<i32>} : memref<512x64xf32, #tpu.memory_space<vmem>>, vector<1x16xf32>,
      %get3A_198 = vector.shape_cast %get3A_197 : vector<1x16xf32> to vector<16xf32>
      %add3A_199 = arith.addf %get3A_194, %get3A_198 : vector<16xf32>
      %swap3A = arith.index_cast %scan3A_191 : i32 to index
      %swap3A_200 = arith.constant 0 : index
      %swap3A_201 = tpu.vector_load %arg7[%swap3A, %swap3A_200] {strides = array<i32>} : memref<512x64xf32, #tpu.memory_space<vmem>>, vector<1x16xf32>,
      %swap3A_202 = vector.shape_cast %swap3A_201 : vector<1x16xf32> to vector<16xf32>
      %swap3A_203 = vector.shape_cast %add3A_199 : vector<16xf32> to vector<1x16xf32>
      tpu.vector_store %arg7[%swap3A, %swap3A_200], %swap3A_203 {strides = array<i32>} : memref<512x64xf32, #tpu.memory_space<vmem>>, vector<1x16xf32>,
      %get3A_204 = arith.index_cast %scan3A_191 : i32 to index
      %get3A_205 = arith.constant 16 : index
      %get3A_206 = tpu.vector_load %arg7[%get3A_204, %get3A_205] {strides = array<i32>} : memref<512x64xf32, #tpu.memory_space<vmem>>, vector<1x16xf32>,
      %get3A_207 = vector.shape_cast %get3A_206 : vector<1x16xf32> to vector<16xf32>
      %get3A_208 = arith.index_cast %scan3A_191 : i32 to index
      %get3A_209 = arith.constant 16 : index
      %get3A_210 = tpu.vector_load %arg8[%get3A_208, %get3A_209] {strides = array<i32>} : memref<512x64xf32, #tpu.memory_space<vmem>>, vector<1x16xf32>,
      %get3A_211 = vector.shape_cast %get3A_210 : vector<1x16xf32> to vector<16xf32>
      %add3A_212 = arith.addf %get3A_207, %get3A_211 : vector<16xf32>
      %swap3A_213 = arith.index_cast %scan3A_191 : i32 to index
      %swap3A_214 = arith.constant 16 : index
      %swap3A_215 = tpu.vector_load %arg7[%swap3A_213, %swap3A_214] {strides = array<i32>} : memref<512x64xf32, #tpu.memory_space<vmem>>, vector<1x16xf32>,
      %swap3A_216 = vector.shape_cast %swap3A_215 : vector<1x16xf32> to vector<16xf32>
      %swap3A_217 = vector.shape_cast %add3A_212 : vector<16xf32> to vector<1x16xf32>
      tpu.vector_store %arg7[%swap3A_213, %swap3A_214], %swap3A_217 {strides = array<i32>} : memref<512x64xf32, #tpu.memory_space<vmem>>, vector<1x16xf32>,
      %get3A_218 = arith.index_cast %scan3A_191 : i32 to index
      %get3A_219 = arith.constant 32 : index
      %get3A_220 = tpu.vector_load %arg7[%get3A_218, %get3A_219] {strides = array<i32>} : memref<512x64xf32, #tpu.memory_space<vmem>>, vector<1x16xf32>,
      %get3A_221 = vector.shape_cast %get3A_220 : vector<1x16xf32> to vector<16xf32>
      %get3A_222 = arith.index_cast %scan3A_191 : i32 to index
      %get3A_223 = arith.constant 32 : index
      %get3A_224 = tpu.vector_load %arg8[%get3A_222, %get3A_223] {strides = array<i32>} : memref<512x64xf32, #tpu.memory_space<vmem>>, vector<1x16xf32>,
      %get3A_225 = vector.shape_cast %get3A_224 : vector<1x16xf32> to vector<16xf32>
      %add3A_226 = arith.addf %get3A_221, %get3A_225 : vector<16xf32>
      %swap3A_227 = arith.index_cast %scan3A_191 : i32 to index
      %swap3A_228 = arith.constant 32 : index
      %swap3A_229 = tpu.vector_load %arg7[%swap3A_227, %swap3A_228] {strides = array<i32>} : memref<512x64xf32, #tpu.memory_space<vmem>>, vector<1x16xf32>,
      %swap3A_230 = vector.shape_cast %swap3A_229 : vector<1x16xf32> to vector<16xf32>
      %swap3A_231 = vector.shape_cast %add3A_226 : vector<16xf32> to vector<1x16xf32>
      tpu.vector_store %arg7[%swap3A_227, %swap3A_228], %swap3A_231 {strides = array<i32>} : memref<512x64xf32, #tpu.memory_space<vmem>>, vector<1x16xf32>,
      %get3A_232 = arith.index_cast %scan3A_191 : i32 to index
      %get3A_233 = arith.constant 48 : index
      %get3A_234 = tpu.vector_load %arg7[%get3A_232, %get3A_233] {strides = array<i32>} : memref<512x64xf32, #tpu.memory_space<vmem>>, vector<1x16xf32>,
      %get3A_235 = vector.shape_cast %get3A_234 : vector<1x16xf32> to vector<16xf32>
      %get3A_236 = arith.index_cast %scan3A_191 : i32 to index
      %get3A_237 = arith.constant 48 : index
      %get3A_238 = tpu.vector_load %arg8[%get3A_236, %get3A_237] {strides = array<i32>} : memref<512x64xf32, #tpu.memory_space<vmem>>, vector<1x16xf32>,
      %get3A_239 = vector.shape_cast %get3A_238 : vector<1x16xf32> to vector<16xf32>
      %add3A_240 = arith.addf %get3A_235, %get3A_239 : vector<16xf32>
      %swap3A_241 = arith.index_cast %scan3A_191 : i32 to index
      %swap3A_242 = arith.constant 48 : index
      %swap3A_243 = tpu.vector_load %arg7[%swap3A_241, %swap3A_242] {strides = array<i32>} : memref<512x64xf32, #tpu.memory_space<vmem>>, vector<1x16xf32>,
      %swap3A_244 = vector.shape_cast %swap3A_243 : vector<1x16xf32> to vector<16xf32>
      %swap3A_245 = vector.shape_cast %add3A_240 : vector<16xf32> to vector<1x16xf32>
      tpu.vector_store %arg7[%swap3A_241, %swap3A_242], %swap3A_245 {strides = array<i32>} : memref<512x64xf32, #tpu.memory_space<vmem>>, vector<1x16xf32>,
    }
    %scan3A_98 = arith.constant 512 : i32
    %add3A_99 = arith.constant 0 : i32
    %add3A_100 = arith.addi %mul3A_2, %add3A_99 : i32
    "tpu.region"() ({
      %run_scoped3A = tpu.sem_alloc : memref<!tpu.dma_semaphore, #tpu.memory_space<semaphore_mem>>
      %dma_start3A_191 = arith.constant 0 : i32
      %dma_start3A_192 = tpu.memref_slice %arg5[%add3A_100, %dma_start3A_191] : memref<32768x64xf32, #tpu.memory_space<hbm>> -> memref<512x64xf32, #tpu.memory_space<hbm>>
      %dma_start3A_193 = arith.constant 0 : i32
      %dma_start3A_194 = tpu.memref_slice %arg5[%add3A_100, %dma_start3A_193] : memref<32768x64xf32, #tpu.memory_space<hbm>> -> memref<512x64xf32, #tpu.memory_space<hbm>>
      tpu.enqueue_dma source(%arg7 : memref<512x64xf32, #tpu.memory_space<vmem>>) target(%dma_start3A_194 : memref<512x64xf32, #tpu.memory_space<hbm>>) target_semaphore(%run_scoped3A : memref<!tpu.dma_semaphore, #tpu.memory_space<semaphore_mem>>)
      %dma_wait3A_195 = arith.constant 0 : i32
      %dma_wait3A_196 = tpu.memref_slice %arg5[%add3A_100, %dma_wait3A_195] : memref<32768x64xf32, #tpu.memory_space<hbm>> -> memref<512x64xf32, #tpu.memory_space<hbm>>
      %dma_wait3A_197 = arith.constant 0 : i32
      %dma_wait3A_198 = tpu.memref_slice %arg5[%add3A_100, %dma_wait3A_197] : memref<32768x64xf32, #tpu.memory_space<hbm>> -> memref<512x64xf32, #tpu.memory_space<hbm>>
      tpu.wait_dma2 semaphore(%run_scoped3A : memref<!tpu.dma_semaphore, #tpu.memory_space<semaphore_mem>>) src(%arg7 : memref<512x64xf32, #tpu.memory_space<vmem>>) dst(%dma_wait3A_198 : memref<512x64xf32, #tpu.memory_space<hbm>>)
      tpu.yield
    }) : () -> ()
    %dma_start3A_101 = arith.constant 4 : i32
    %dma_start3A_102 = arith.constant 0 : i32
    %dma_start3A_103 = arith.constant 0 : i32
    %dma_start3A_104 = tpu.memref_slice %arg7[%dma_start3A_102, %dma_start3A_103] : memref<512x64xf32, #tpu.memory_space<vmem>> -> memref<128x64xf32, #tpu.memory_space<vmem>>
    %dma_start3A_105 = arith.constant 0 : i32
    %dma_start3A_106 = tpu.memref_slice %arg6[%dma_start3A_101, %dma_start3A_105] : memref<8x128xi32, #tpu.memory_space<vmem>> -> memref<1x128xi32, #tpu.memory_space<vmem>>
    %dma_start3A_107 = tpu.memref_squeeze %dma_start3A_106 : memref<1x128xi32, #tpu.memory_space<vmem>> -> memref<128xi32, #tpu.memory_space<vmem>>
    %dma_start3A_108 = arith.constant 0 : i32
    %dma_start3A_109 = arith.constant 0 : i32
    %dma_start3A_110 = tpu.memref_slice %arg3[%dma_start3A_108, %dma_start3A_109] : memref<1000000x64xf32, #tpu.memory_space<hbm>> -> memref<1000000x64xf32, #tpu.memory_space<hbm>>
    tpu.enqueue_indirect_dma source(%dma_start3A_110 : memref<1000000x64xf32, #tpu.memory_space<hbm>>) target(%dma_start3A_104 : memref<128x64xf32, #tpu.memory_space<vmem>>) offsets(%dma_start3A_107 : memref<128xi32, #tpu.memory_space<vmem>>) semaphore(%arg9 : memref<!tpu.dma_semaphore, #tpu.memory_space<semaphore_mem>>)
    %dma_start3A_111 = arith.constant 5 : i32
    %dma_start3A_112 = arith.constant 128 : i32
    %dma_start3A_113 = arith.constant 0 : i32
    %dma_start3A_114 = tpu.memref_slice %arg7[%dma_start3A_112, %dma_start3A_113] : memref<512x64xf32, #tpu.memory_space<vmem>> -> memref<128x64xf32, #tpu.memory_space<vmem>>
    %dma_start3A_115 = arith.constant 0 : i32
    %dma_start3A_116 = tpu.memref_slice %arg6[%dma_start3A_111, %dma_start3A_115] : memref<8x128xi32, #tpu.memory_space<vmem>> -> memref<1x128xi32, #tpu.memory_space<vmem>>
    %dma_start3A_117 = tpu.memref_squeeze %dma_start3A_116 : memref<1x128xi32, #tpu.memory_space<vmem>> -> memref<128xi32, #tpu.memory_space<vmem>>
    %dma_start3A_118 = arith.constant 0 : i32
    %dma_start3A_119 = arith.constant 0 : i32
    %dma_start3A_120 = tpu.memref_slice %arg3[%dma_start3A_118, %dma_start3A_119] : memref<1000000x64xf32, #tpu.memory_space<hbm>> -> memref<1000000x64xf32, #tpu.memory_space<hbm>>
    tpu.enqueue_indirect_dma source(%dma_start3A_120 : memref<1000000x64xf32, #tpu.memory_space<hbm>>) target(%dma_start3A_114 : memref<128x64xf32, #tpu.memory_space<vmem>>) offsets(%dma_start3A_117 : memref<128xi32, #tpu.memory_space<vmem>>) semaphore(%arg9 : memref<!tpu.dma_semaphore, #tpu.memory_space<semaphore_mem>>)
    %dma_start3A_121 = arith.constant 6 : i32
    %dma_start3A_122 = arith.constant 256 : i32
    %dma_start3A_123 = arith.constant 0 : i32
    %dma_start3A_124 = tpu.memref_slice %arg7[%dma_start3A_122, %dma_start3A_123] : memref<512x64xf32, #tpu.memory_space<vmem>> -> memref<128x64xf32, #tpu.memory_space<vmem>>
    %dma_start3A_125 = arith.constant 0 : i32
    %dma_start3A_126 = tpu.memref_slice %arg6[%dma_start3A_121, %dma_start3A_125] : memref<8x128xi32, #tpu.memory_space<vmem>> -> memref<1x128xi32, #tpu.memory_space<vmem>>
    %dma_start3A_127 = tpu.memref_squeeze %dma_start3A_126 : memref<1x128xi32, #tpu.memory_space<vmem>> -> memref<128xi32, #tpu.memory_space<vmem>>
    %dma_start3A_128 = arith.constant 0 : i32
    %dma_start3A_129 = arith.constant 0 : i32
    %dma_start3A_130 = tpu.memref_slice %arg3[%dma_start3A_128, %dma_start3A_129] : memref<1000000x64xf32, #tpu.memory_space<hbm>> -> memref<1000000x64xf32, #tpu.memory_space<hbm>>
    tpu.enqueue_indirect_dma source(%dma_start3A_130 : memref<1000000x64xf32, #tpu.memory_space<hbm>>) target(%dma_start3A_124 : memref<128x64xf32, #tpu.memory_space<vmem>>) offsets(%dma_start3A_127 : memref<128xi32, #tpu.memory_space<vmem>>) semaphore(%arg9 : memref<!tpu.dma_semaphore, #tpu.memory_space<semaphore_mem>>)
    %dma_start3A_131 = arith.constant 7 : i32
    %dma_start3A_132 = arith.constant 384 : i32
    %dma_start3A_133 = arith.constant 0 : i32
    %dma_start3A_134 = tpu.memref_slice %arg7[%dma_start3A_132, %dma_start3A_133] : memref<512x64xf32, #tpu.memory_space<vmem>> -> memref<128x64xf32, #tpu.memory_space<vmem>>
    %dma_start3A_135 = arith.constant 0 : i32
    %dma_start3A_136 = tpu.memref_slice %arg6[%dma_start3A_131, %dma_start3A_135] : memref<8x128xi32, #tpu.memory_space<vmem>> -> memref<1x128xi32, #tpu.memory_space<vmem>>
    %dma_start3A_137 = tpu.memref_squeeze %dma_start3A_136 : memref<1x128xi32, #tpu.memory_space<vmem>> -> memref<128xi32, #tpu.memory_space<vmem>>
    %dma_start3A_138 = arith.constant 0 : i32
    %dma_start3A_139 = arith.constant 0 : i32
    %dma_start3A_140 = tpu.memref_slice %arg3[%dma_start3A_138, %dma_start3A_139] : memref<1000000x64xf32, #tpu.memory_space<hbm>> -> memref<1000000x64xf32, #tpu.memory_space<hbm>>
    tpu.enqueue_indirect_dma source(%dma_start3A_140 : memref<1000000x64xf32, #tpu.memory_space<hbm>>) target(%dma_start3A_134 : memref<128x64xf32, #tpu.memory_space<vmem>>) offsets(%dma_start3A_137 : memref<128xi32, #tpu.memory_space<vmem>>) semaphore(%arg9 : memref<!tpu.dma_semaphore, #tpu.memory_space<semaphore_mem>>)
    %add3A_141 = arith.constant 512 : i32
    %add3A_142 = arith.addi %select_n3A_11, %add3A_141 : i32
    "tpu.region"() ({
      %run_scoped3A = tpu.sem_alloc : memref<!tpu.dma_semaphore, #tpu.memory_space<semaphore_mem>>
      %dma_start3A_191 = arith.constant 0 : i32
      %dma_start3A_192 = tpu.memref_slice %arg4[%add3A_142, %dma_start3A_191] : memref<2048x64xf32, #tpu.memory_space<hbm>> -> memref<512x64xf32, #tpu.memory_space<hbm>>
      %dma_start3A_193 = arith.constant 0 : i32
      %dma_start3A_194 = tpu.memref_slice %arg4[%add3A_142, %dma_start3A_193] : memref<2048x64xf32, #tpu.memory_space<hbm>> -> memref<512x64xf32, #tpu.memory_space<hbm>>
      tpu.enqueue_dma source(%dma_start3A_194 : memref<512x64xf32, #tpu.memory_space<hbm>>) target(%arg8 : memref<512x64xf32, #tpu.memory_space<vmem>>) target_semaphore(%run_scoped3A : memref<!tpu.dma_semaphore, #tpu.memory_space<semaphore_mem>>)
      %dma_wait3A_195 = arith.constant 0 : i32
      %dma_wait3A_196 = tpu.memref_slice %arg4[%add3A_142, %dma_wait3A_195] : memref<2048x64xf32, #tpu.memory_space<hbm>> -> memref<512x64xf32, #tpu.memory_space<hbm>>
      %dma_wait3A_197 = arith.constant 0 : i32
      %dma_wait3A_198 = tpu.memref_slice %arg4[%add3A_142, %dma_wait3A_197] : memref<2048x64xf32, #tpu.memory_space<hbm>> -> memref<512x64xf32, #tpu.memory_space<hbm>>
      tpu.wait_dma2 semaphore(%run_scoped3A : memref<!tpu.dma_semaphore, #tpu.memory_space<semaphore_mem>>) src(%dma_wait3A_198 : memref<512x64xf32, #tpu.memory_space<hbm>>) dst(%arg8 : memref<512x64xf32, #tpu.memory_space<vmem>>)
      tpu.yield
    }) : () -> ()
    %dma_wait3A_143 = arith.constant 4 : i32
    %dma_wait3A_144 = arith.constant 0 : i32
    %dma_wait3A_145 = arith.constant 0 : i32
    %dma_wait3A_146 = tpu.memref_slice %arg7[%dma_wait3A_144, %dma_wait3A_145] : memref<512x64xf32, #tpu.memory_space<vmem>> -> memref<128x64xf32, #tpu.memory_space<vmem>>
    %dma_wait3A_147 = arith.constant 0 : i32
    %dma_wait3A_148 = tpu.memref_slice %arg6[%dma_wait3A_143, %dma_wait3A_147] : memref<8x128xi32, #tpu.memory_space<vmem>> -> memref<1x128xi32, #tpu.memory_space<vmem>>
    %dma_wait3A_149 = tpu.memref_squeeze %dma_wait3A_148 : memref<1x128xi32, #tpu.memory_space<vmem>> -> memref<128xi32, #tpu.memory_space<vmem>>
    %dma_wait3A_150 = arith.constant 0 : i32
    %dma_wait3A_151 = arith.constant 0 : i32
    %dma_wait3A_152 = tpu.memref_slice %arg3[%dma_wait3A_150, %dma_wait3A_151] : memref<1000000x64xf32, #tpu.memory_space<hbm>> -> memref<1000000x64xf32, #tpu.memory_space<hbm>>
    tpu.wait_indirect_dma semaphore(%arg9 : memref<!tpu.dma_semaphore, #tpu.memory_space<semaphore_mem>>) src(%dma_wait3A_152 : memref<1000000x64xf32, #tpu.memory_space<hbm>>) dst(%dma_wait3A_146 : memref<128x64xf32, #tpu.memory_space<vmem>>)
    %dma_wait3A_153 = arith.constant 5 : i32
    %dma_wait3A_154 = arith.constant 128 : i32
    %dma_wait3A_155 = arith.constant 0 : i32
    %dma_wait3A_156 = tpu.memref_slice %arg7[%dma_wait3A_154, %dma_wait3A_155] : memref<512x64xf32, #tpu.memory_space<vmem>> -> memref<128x64xf32, #tpu.memory_space<vmem>>
    %dma_wait3A_157 = arith.constant 0 : i32
    %dma_wait3A_158 = tpu.memref_slice %arg6[%dma_wait3A_153, %dma_wait3A_157] : memref<8x128xi32, #tpu.memory_space<vmem>> -> memref<1x128xi32, #tpu.memory_space<vmem>>
    %dma_wait3A_159 = tpu.memref_squeeze %dma_wait3A_158 : memref<1x128xi32, #tpu.memory_space<vmem>> -> memref<128xi32, #tpu.memory_space<vmem>>
    %dma_wait3A_160 = arith.constant 0 : i32
    %dma_wait3A_161 = arith.constant 0 : i32
    %dma_wait3A_162 = tpu.memref_slice %arg3[%dma_wait3A_160, %dma_wait3A_161] : memref<1000000x64xf32, #tpu.memory_space<hbm>> -> memref<1000000x64xf32, #tpu.memory_space<hbm>>
    tpu.wait_indirect_dma semaphore(%arg9 : memref<!tpu.dma_semaphore, #tpu.memory_space<semaphore_mem>>) src(%dma_wait3A_162 : memref<1000000x64xf32, #tpu.memory_space<hbm>>) dst(%dma_wait3A_156 : memref<128x64xf32, #tpu.memory_space<vmem>>)
    %dma_wait3A_163 = arith.constant 6 : i32
    %dma_wait3A_164 = arith.constant 256 : i32
    %dma_wait3A_165 = arith.constant 0 : i32
    %dma_wait3A_166 = tpu.memref_slice %arg7[%dma_wait3A_164, %dma_wait3A_165] : memref<512x64xf32, #tpu.memory_space<vmem>> -> memref<128x64xf32, #tpu.memory_space<vmem>>
    %dma_wait3A_167 = arith.constant 0 : i32
    %dma_wait3A_168 = tpu.memref_slice %arg6[%dma_wait3A_163, %dma_wait3A_167] : memref<8x128xi32, #tpu.memory_space<vmem>> -> memref<1x128xi32, #tpu.memory_space<vmem>>
    %dma_wait3A_169 = tpu.memref_squeeze %dma_wait3A_168 : memref<1x128xi32, #tpu.memory_space<vmem>> -> memref<128xi32, #tpu.memory_space<vmem>>
    %dma_wait3A_170 = arith.constant 0 : i32
    %dma_wait3A_171 = arith.constant 0 : i32
    %dma_wait3A_172 = tpu.memref_slice %arg3[%dma_wait3A_170, %dma_wait3A_171] : memref<1000000x64xf32, #tpu.memory_space<hbm>> -> memref<1000000x64xf32, #tpu.memory_space<hbm>>
    tpu.wait_indirect_dma semaphore(%arg9 : memref<!tpu.dma_semaphore, #tpu.memory_space<semaphore_mem>>) src(%dma_wait3A_172 : memref<1000000x64xf32, #tpu.memory_space<hbm>>) dst(%dma_wait3A_166 : memref<128x64xf32, #tpu.memory_space<vmem>>)
    %dma_wait3A_173 = arith.constant 7 : i32
    %dma_wait3A_174 = arith.constant 384 : i32
    %dma_wait3A_175 = arith.constant 0 : i32
    %dma_wait3A_176 = tpu.memref_slice %arg7[%dma_wait3A_174, %dma_wait3A_175] : memref<512x64xf32, #tpu.memory_space<vmem>> -> memref<128x64xf32, #tpu.memory_space<vmem>>
    %dma_wait3A_177 = arith.constant 0 : i32
    %dma_wait3A_178 = tpu.memref_slice %arg6[%dma_wait3A_173, %dma_wait3A_177] : memref<8x128xi32, #tpu.memory_space<vmem>> -> memref<1x128xi32, #tpu.memory_space<vmem>>
    %dma_wait3A_179 = tpu.memref_squeeze %dma_wait3A_178 : memref<1x128xi32, #tpu.memory_space<vmem>> -> memref<128xi32, #tpu.memory_space<vmem>>
    %dma_wait3A_180 = arith.constant 0 : i32
    %dma_wait3A_181 = arith.constant 0 : i32
    %dma_wait3A_182 = tpu.memref_slice %arg3[%dma_wait3A_180, %dma_wait3A_181] : memref<1000000x64xf32, #tpu.memory_space<hbm>> -> memref<1000000x64xf32, #tpu.memory_space<hbm>>
    tpu.wait_indirect_dma semaphore(%arg9 : memref<!tpu.dma_semaphore, #tpu.memory_space<semaphore_mem>>) src(%dma_wait3A_182 : memref<1000000x64xf32, #tpu.memory_space<hbm>>) dst(%dma_wait3A_176 : memref<128x64xf32, #tpu.memory_space<vmem>>)
    %scan3A_183 = arith.constant 0 : i32
    %scan3A_184 = arith.constant 0 : i32
    %scan3A_185 = arith.constant 512 : i32
    %scan3A_186 = arith.addi %scan3A_184, %scan3A_185 : i32
    %scan3A_187 = arith.constant 1 : i32
    scf.for %scan3A_191 = %scan3A_184 to %scan3A_186 step %scan3A_187  : i32 {
      %get3A = arith.index_cast %scan3A_191 : i32 to index
      %get3A_192 = arith.constant 0 : index
      %get3A_193 = tpu.vector_load %arg7[%get3A, %get3A_192] {strides = array<i32>} : memref<512x64xf32, #tpu.memory_space<vmem>>, vector<1x16xf32>,
      %get3A_194 = vector.shape_cast %get3A_193 : vector<1x16xf32> to vector<16xf32>
      %get3A_195 = arith.index_cast %scan3A_191 : i32 to index
      %get3A_196 = arith.constant 0 : index
      %get3A_197 = tpu.vector_load %arg8[%get3A_195, %get3A_196] {strides = array<i32>} : memref<512x64xf32, #tpu.memory_space<vmem>>, vector<1x16xf32>,
      %get3A_198 = vector.shape_cast %get3A_197 : vector<1x16xf32> to vector<16xf32>
      %add3A_199 = arith.addf %get3A_194, %get3A_198 : vector<16xf32>
      %swap3A = arith.index_cast %scan3A_191 : i32 to index
      %swap3A_200 = arith.constant 0 : index
      %swap3A_201 = tpu.vector_load %arg7[%swap3A, %swap3A_200] {strides = array<i32>} : memref<512x64xf32, #tpu.memory_space<vmem>>, vector<1x16xf32>,
      %swap3A_202 = vector.shape_cast %swap3A_201 : vector<1x16xf32> to vector<16xf32>
      %swap3A_203 = vector.shape_cast %add3A_199 : vector<16xf32> to vector<1x16xf32>
      tpu.vector_store %arg7[%swap3A, %swap3A_200], %swap3A_203 {strides = array<i32>} : memref<512x64xf32, #tpu.memory_space<vmem>>, vector<1x16xf32>,
      %get3A_204 = arith.index_cast %scan3A_191 : i32 to index
      %get3A_205 = arith.constant 16 : index
      %get3A_206 = tpu.vector_load %arg7[%get3A_204, %get3A_205] {strides = array<i32>} : memref<512x64xf32, #tpu.memory_space<vmem>>, vector<1x16xf32>,
      %get3A_207 = vector.shape_cast %get3A_206 : vector<1x16xf32> to vector<16xf32>
      %get3A_208 = arith.index_cast %scan3A_191 : i32 to index
      %get3A_209 = arith.constant 16 : index
      %get3A_210 = tpu.vector_load %arg8[%get3A_208, %get3A_209] {strides = array<i32>} : memref<512x64xf32, #tpu.memory_space<vmem>>, vector<1x16xf32>,
      %get3A_211 = vector.shape_cast %get3A_210 : vector<1x16xf32> to vector<16xf32>
      %add3A_212 = arith.addf %get3A_207, %get3A_211 : vector<16xf32>
      %swap3A_213 = arith.index_cast %scan3A_191 : i32 to index
      %swap3A_214 = arith.constant 16 : index
      %swap3A_215 = tpu.vector_load %arg7[%swap3A_213, %swap3A_214] {strides = array<i32>} : memref<512x64xf32, #tpu.memory_space<vmem>>, vector<1x16xf32>,
      %swap3A_216 = vector.shape_cast %swap3A_215 : vector<1x16xf32> to vector<16xf32>
      %swap3A_217 = vector.shape_cast %add3A_212 : vector<16xf32> to vector<1x16xf32>
      tpu.vector_store %arg7[%swap3A_213, %swap3A_214], %swap3A_217 {strides = array<i32>} : memref<512x64xf32, #tpu.memory_space<vmem>>, vector<1x16xf32>,
      %get3A_218 = arith.index_cast %scan3A_191 : i32 to index
      %get3A_219 = arith.constant 32 : index
      %get3A_220 = tpu.vector_load %arg7[%get3A_218, %get3A_219] {strides = array<i32>} : memref<512x64xf32, #tpu.memory_space<vmem>>, vector<1x16xf32>,
      %get3A_221 = vector.shape_cast %get3A_220 : vector<1x16xf32> to vector<16xf32>
      %get3A_222 = arith.index_cast %scan3A_191 : i32 to index
      %get3A_223 = arith.constant 32 : index
      %get3A_224 = tpu.vector_load %arg8[%get3A_222, %get3A_223] {strides = array<i32>} : memref<512x64xf32, #tpu.memory_space<vmem>>, vector<1x16xf32>,
      %get3A_225 = vector.shape_cast %get3A_224 : vector<1x16xf32> to vector<16xf32>
      %add3A_226 = arith.addf %get3A_221, %get3A_225 : vector<16xf32>
      %swap3A_227 = arith.index_cast %scan3A_191 : i32 to index
      %swap3A_228 = arith.constant 32 : index
      %swap3A_229 = tpu.vector_load %arg7[%swap3A_227, %swap3A_228] {strides = array<i32>} : memref<512x64xf32, #tpu.memory_space<vmem>>, vector<1x16xf32>,
      %swap3A_230 = vector.shape_cast %swap3A_229 : vector<1x16xf32> to vector<16xf32>
      %swap3A_231 = vector.shape_cast %add3A_226 : vector<16xf32> to vector<1x16xf32>
      tpu.vector_store %arg7[%swap3A_227, %swap3A_228], %swap3A_231 {strides = array<i32>} : memref<512x64xf32, #tpu.memory_space<vmem>>, vector<1x16xf32>,
      %get3A_232 = arith.index_cast %scan3A_191 : i32 to index
      %get3A_233 = arith.constant 48 : index
      %get3A_234 = tpu.vector_load %arg7[%get3A_232, %get3A_233] {strides = array<i32>} : memref<512x64xf32, #tpu.memory_space<vmem>>, vector<1x16xf32>,
      %get3A_235 = vector.shape_cast %get3A_234 : vector<1x16xf32> to vector<16xf32>
      %get3A_236 = arith.index_cast %scan3A_191 : i32 to index
      %get3A_237 = arith.constant 48 : index
      %get3A_238 = tpu.vector_load %arg8[%get3A_236, %get3A_237] {strides = array<i32>} : memref<512x64xf32, #tpu.memory_space<vmem>>, vector<1x16xf32>,
      %get3A_239 = vector.shape_cast %get3A_238 : vector<1x16xf32> to vector<16xf32>
      %add3A_240 = arith.addf %get3A_235, %get3A_239 : vector<16xf32>
      %swap3A_241 = arith.index_cast %scan3A_191 : i32 to index
      %swap3A_242 = arith.constant 48 : index
      %swap3A_243 = tpu.vector_load %arg7[%swap3A_241, %swap3A_242] {strides = array<i32>} : memref<512x64xf32, #tpu.memory_space<vmem>>, vector<1x16xf32>,
      %swap3A_244 = vector.shape_cast %swap3A_243 : vector<1x16xf32> to vector<16xf32>
      %swap3A_245 = vector.shape_cast %add3A_240 : vector<16xf32> to vector<1x16xf32>
      tpu.vector_store %arg7[%swap3A_241, %swap3A_242], %swap3A_245 {strides = array<i32>} : memref<512x64xf32, #tpu.memory_space<vmem>>, vector<1x16xf32>,
    }
    %scan3A_188 = arith.constant 512 : i32
    %add3A_189 = arith.constant 512 : i32
    %add3A_190 = arith.addi %mul3A_2, %add3A_189 : i32
    "tpu.region"() ({
      %run_scoped3A = tpu.sem_alloc : memref<!tpu.dma_semaphore, #tpu.memory_space<semaphore_mem>>
      %dma_start3A_191 = arith.constant 0 : i32
      %dma_start3A_192 = tpu.memref_slice %arg5[%add3A_190, %dma_start3A_191] : memref<32768x64xf32, #tpu.memory_space<hbm>> -> memref<512x64xf32, #tpu.memory_space<hbm>>
      %dma_start3A_193 = arith.constant 0 : i32
      %dma_start3A_194 = tpu.memref_slice %arg5[%add3A_190, %dma_start3A_193] : memref<32768x64xf32, #tpu.memory_space<hbm>> -> memref<512x64xf32, #tpu.memory_space<hbm>>
      tpu.enqueue_dma source(%arg7 : memref<512x64xf32, #tpu.memory_space<vmem>>) target(%dma_start3A_194 : memref<512x64xf32, #tpu.memory_space<hbm>>) target_semaphore(%run_scoped3A : memref<!tpu.dma_semaphore, #tpu.memory_space<semaphore_mem>>)
      %dma_wait3A_195 = arith.constant 0 : i32
      %dma_wait3A_196 = tpu.memref_slice %arg5[%add3A_190, %dma_wait3A_195] : memref<32768x64xf32, #tpu.memory_space<hbm>> -> memref<512x64xf32, #tpu.memory_space<hbm>>
      %dma_wait3A_197 = arith.constant 0 : i32
      %dma_wait3A_198 = tpu.memref_slice %arg5[%add3A_190, %dma_wait3A_197] : memref<32768x64xf32, #tpu.memory_space<hbm>> -> memref<512x64xf32, #tpu.memory_space<hbm>>
      tpu.wait_dma2 semaphore(%run_scoped3A : memref<!tpu.dma_semaphore, #tpu.memory_space<semaphore_mem>>) src(%arg7 : memref<512x64xf32, #tpu.memory_space<vmem>>) dst(%dma_wait3A_198 : memref<512x64xf32, #tpu.memory_space<hbm>>)
      tpu.yield
    }) : () -> ()
    return
  }
}

</mosaic_0001>

<sc_bundles>
// kernel: _embed.3.cloned.1.call-start
scs
__scs_entry_jumppad:
0x0: {  	(pc) =	sbr.rel $0x88, $3  }
0x1: {  	(tag) =	ssettag $0x0;
	lr =	simm.s32 $0x1  }
0x2: {  	[smem:$0x3F9E] =	sst lr;
	_ =	strace $0xD0000000  }
0x3: {  	_ = 	snop  }
0x4: {  	_ = 	snop  }
0x5: {  	_ = 	snop  }
0x6: {  	_ = 	snop  }
0x7: {  	_ = 	snop  }
__scs_overlays_trampoline_lowered:
0x8: {  	[smem:$0x3FAD] =	sst s0  }
0x9: {  	[smem:$0x3FAE] =	sst s1  }
0xa: {  	[smem:$0x3FAF] =	sst s2  }
0xb: {  	[smem:$0x3FB0] =	sst s3  }
0xc: {  	[smem:$0x3FB1] =	sst s4  }
0xd: {  	[smem:$0x3FB2] =	sst s5  }
0xe: {  	[smem:$0x3FB3] =	sst s6  }
0xf: {  	[smem:$0x3FB4] =	sst s7  }
0x10: {  	[smem:$0x3FB5] =	sst s8  }
0x11: {  	[smem:$0x3FB6] =	sst s9;
	s0 =	simm.s32 @!p0 $0x0  }
0x12: {  	s1 =	sld [smem:$0x3F9C];
	s0 =	simm.s32 @p0 $0x1  }
0x13: {  	[smem:$0x3FB7] =	sst s0;
	s0 =	simm.s32 @!p1 $0x0  }
0x14: {  	s2 =	sld [smem:$0x3F9B];
	s0 =	simm.s32 @p1 $0x1  }
0x15: {  	[smem:$0x3FB8] =	sst s0;
	s0 =	simm.s32 @!p2 $0x0  }
0x16: {  	s3 =	sld [smem:$0x3FDB];
	s0 =	simm.s32 @p2 $0x1  }
0x17: {  	s4 =	simm.s32 $0x1BF5;
	[smem:$0x3FBA] =	sst s0  }
0x18: {  	s0 =	sld [smem:$0x3F9D];
	_ =	swait.ge [sflag:s4], $0x0  }
0x19: {  	s7 =	sld [smem:$0x3F9E]  }
0x1a: {  	s8 =	sadd.s32 $0xFFFFE003, lr  }
0x1b: {  	s9 =	sadd.s32 $0xFFFFFEF7, lr;
	s5 =	simm.s32 $0xFFFFFFFF;
	p2 =	slt.u32 s8, $0xFFFFF086  }
0x1c: {  	p1 =	slt.u32 s9, $0xF7A;
	s5 =	simm.s32 @!p2 $0x0  }
0x1d: {  	s5 =	simm.s32 @p1 $0x1;
	p0 =	seq.s32 s7, s2  }
0x1e: {  	s7 =	smul.u32 @!p0 $0xF7A, s2;
	p2 =	seq.s32 @!p0 s5, $0x0  }
0x1f: {  	s9 =	smul.u32 $0xF7A, s1;
	s8 =	simm.s32 @!p0 $0x1BF5;
	p2 =	por !p2, p0  }
0x20: {  	[sflag:s8] =	ssyncset.s32 @!p0 $0xFFFFF086;
	s6 =	sadd.s32 @!p0 s3, s7;
	s7 =	simm.s32 @!p0 $0x108  }
0x21: {  	s3 =	sadd.s32 s3, s9;
	s6 =	sadd.s32 @!p0 $0x88, s6;
	s7 =	simm.s32 @p2 $0x1082  }
0x22: {  	[simem:s7], [sflag:s8] =	dma.local @!p0 [hbm:s6], $0xF7A  }
0x23: {  	s9 =	sor.u32 $0xD0000000, s2;
	s6 =	simm.s32 $0x108;
	_ =	swait.ge @!p0 [sflag:s8], $0x0  }
0x24: {  	s3 =	sadd.s32 $0x88, s3;
	s6 =	simm.s32 @!p1 $0x1082;
	[sflag:s4] =	ssyncset.s32 $0xFFFFF086  }
0x25: {  	[simem:s6], [sflag:s4] =	dma.local [hbm:s3], $0xF7A  }
0x26: {  	[smem:$0x3F9E] =	sst s1;
	(tag) =	ssettag s2;
	_ =	strace s9  }
0x27: {  	s1 =	sld [smem:$0x3FAE]  }
0x28: {  	s2 =	sld [smem:$0x3FAF]  }
0x29: {  	s4 =	sld [smem:$0x3FB1]  }
0x2a: {  	p0 =	seq.s32 s5, $0x0;
	s5 =	sld [smem:$0x3FB2]  }
0x2b: {  	s6 =	sld [smem:$0x3FB3]  }
0x2c: {  	s7 =	sld [smem:$0x3FB4]  }
0x2d: {  	s3 =	simm.s32 $0x108;
	s8 =	sld [smem:$0x3FB5]  }
0x2e: {  	s3 =	simm.s32 @!p0 $0x1082;
	s9 =	sld [smem:$0x3FB6]  }
0x2f: {  	lr =	sadd.s32 s0, s3;
	s0 =	sld [smem:$0x3FAD]  }
0x30: {  	s3 =	sld [smem:$0x3FB0]  }
0x31: {  	[smem:$0x3FB9] =	sst s10  }
0x32: {  	s10 =	sld [smem:$0x3FB7];
	_ =	sdelay $0x3  }
0x33: {  	p0 =	seq.s32 s10, $0x1;
	s10 =	sld [smem:$0x3FB9];
	_ =	sdelay $0x3  }
0x34: {  	[smem:$0x3FB9] =	sst s10  }
0x35: {  	s10 =	sld [smem:$0x3FB8];
	_ =	sdelay $0x3  }
0x36: {  	p1 =	seq.s32 s10, $0x1;
	s10 =	sld [smem:$0x3FB9];
	_ =	sdelay $0x3  }
0x37: {  	[smem:$0x3FB9] =	sst s10  }
0x38: {  	s10 =	sld [smem:$0x3FBA]  }
0x39: {  	_ = 	snop;
	(pc) =	sbr.ind lr, $3  }
0x3a: {  	_ = 	snop  }
0x3b: {  	_ = 	snop  }
0x3c: {  	p2 =	seq.s32 s10, $0x1;
	s10 =	sld [smem:$0x3FB9]  }
0x3d: {  	_ =	shalt  }
0x3e: {  	_ =	shalt  }
0x3f: {  	_ =	shalt  }
0x40: {  	_ =	shalt  }
0x41: {  	_ =	shalt  }
0x42: {  	_ =	shalt  }
0x43: {  	_ =	shalt  }
0x44: {  	_ =	shalt  }
0x45: {  	_ =	shalt  }
0x46: {  	_ =	shalt  }
0x47: {  	_ =	shalt  }
0x48: {  	_ =	shalt  }
0x49: {  	_ =	shalt  }
0x4a: {  	_ =	shalt  }
0x4b: {  	_ =	shalt  }
0x4c: {  	_ =	shalt  }
0x4d: {  	_ =	shalt  }
0x4e: {  	_ =	shalt  }
0x4f: {  	_ =	shalt  }
0x50: {  	_ =	shalt  }
0x51: {  	_ =	shalt  }
0x52: {  	_ =	shalt  }
0x53: {  	_ =	shalt  }
0x54: {  	_ =	shalt  }
0x55: {  	_ =	shalt  }
0x56: {  	_ =	shalt  }
0x57: {  	_ =	shalt  }
0x58: {  	_ =	shalt  }
0x59: {  	_ =	shalt  }
0x5a: {  	_ =	shalt  }
0x5b: {  	_ =	shalt  }
0x5c: {  	_ =	shalt  }
0x5d: {  	_ =	shalt  }
0x5e: {  	_ =	shalt  }
0x5f: {  	_ =	shalt  }
0x60: {  	_ =	shalt  }
0x61: {  	_ =	shalt  }
0x62: {  	_ =	shalt  }
0x63: {  	_ =	shalt  }
0x64: {  	_ =	shalt  }
0x65: {  	_ =	shalt  }
0x66: {  	_ =	shalt  }
0x67: {  	_ =	shalt  }
0x68: {  	_ =	shalt  }
0x69: {  	_ =	shalt  }
0x6a: {  	_ =	shalt  }
0x6b: {  	_ =	shalt  }
0x6c: {  	_ =	shalt  }
0x6d: {  	_ =	shalt  }
0x6e: {  	_ =	shalt  }
0x6f: {  	_ =	shalt  }
0x70: {  	_ =	shalt  }
0x71: {  	_ =	shalt  }
0x72: {  	_ =	shalt  }
0x73: {  	_ =	shalt  }
0x74: {  	_ =	shalt  }
0x75: {  	_ =	shalt  }
0x76: {  	_ =	shalt  }
0x77: {  	_ =	shalt  }
0x78: {  	_ =	shalt  }
0x79: {  	_ =	shalt  }
0x7a: {  	_ =	shalt  }
0x7b: {  	_ =	shalt  }
0x7c: {  	_ =	shalt  }
0x7d: {  	_ =	shalt  }
0x7e: {  	_ =	shalt  }
0x7f: {  	_ =	shalt  }
0x80: {  	_ =	shalt  }
0x81: {  	_ =	shalt  }
0x82: {  	_ =	shalt  }
0x83: {  	_ =	shalt  }
0x84: {  	_ =	shalt  }
0x85: {  	_ =	shalt  }
0x86: {  	_ =	shalt  }
0x87: {  	_ =	shalt  }
.Lfunc_end0:
.L_simem_size_0:
called_computation_lowered:
.L_overlay_start_0:
0x88: {  	s2 =	sld [smem:$0x3FD9]  }
0x89: {  	s3 =	sld [smem:$0x3FFE];
	_ =	sdelay $0x1  }
0x8a: {  	s1 =	srdreg.scid  }
0x8b: {  	s0 =	sand.u32 $0x1, s1  }
0x8c: {  	s17 =	sshll.u32 s0, $0xA;
	s2 =	sadd.s32 s3, s2  }
0x8d: {  	s2 =	sadd.s32 s2, s17  }
0x8e: {  	[smem:$0x3FC5] =	sst s2  }
0x8f: {  	_ = 	snop  }
0x90: {  	s2 =	sld [smem:$0x3FC9]  }
0x91: {  	s18 =	sld [smem:$0x3FD0];
	(tm) =	ssettm $0x1  }
0x92: {  	s4 =	sld [smem:$0x3FFB];
	_ =	sdelay $0x3  }
0x93: {  	_ =	strace s4  }
0x94: {  	s4 =	sld [smem:$0x3FFC];
	_ =	sdelay $0x3  }
0x95: {  	_ =	strace s4  }
0x96: {  	s4 =	sld [smem:$0x3FFD];
	_ =	sdelay $0x3  }
0x97: {  	_ =	strace s4  }
0x98: {  	_ =	strace $0x8FFFFFFF  }
0x99: {  	s19 =	sld [smem:$0x3FDB];
	_ =	sdelay $0x1  }
0x9a: {  	s5 =	simm.s32 $_scs_section_size  }
0x9b: {  	s6 =	simm.s32 $_size__tile_overlayer_lowered;
	s7 =	simm.s32 $_tile_overlayer_lowered  }
0x9c: {  	s22 =	simm.s32 $0x1BFF;
	s21 =	sshll.u32 s7, $0x1;
	s4 =	sadd.s32 s5, s19  }
0x9d: {  	s8 =	simm.s32 $0x0;
	s20 =	sshll.u32 s6, $0x1;
	s6 =	sadd.s32 s21, s4  }
0x9e: {  	[timem:s8], [sflag:s22] =	dma.local [hbm:s6], s20  }
0x9f: {  	_ =	swait.ge [sflag:s22], s20  }
0xa0: {  	s5 =	ssub.s32 $0x0, s20;
	[sflag:s22] =	ssyncset.done $0x0  }
0xa1: {  	[sflag:s22] =	ssyncadd.s32 s5;
	_ =	sdelay $0x1  }
0xa2: {  	s23 =	simm.s32 $0x1B8B  }
0xa3: {  	_ =	swait.ge [sflag:s23], $0x1  }
0xa4: {  	[sflag:s23] =	ssyncset.done $0x0  }
0xa5: {  	s25 =	simm.s32 $0x1B8E;
	s24 =	sld [smem:$0x3FFE];
	[sflag:s23] =	ssyncadd.s32 $0xFFFFFFFF  }
0xa6: {  	s26 =	simm.s32 $execute0_lowered;
	[smem:$0x3FD2] =	sst s25  }
0xa7: {  	s6 =	sshll.u32 s26, $0x1;
	_ =	strace $0x80000046;
	[dreg:$0x1] =	wrdreg $0xFFFFFFFF  }
0xa8: {  	s28 =	simm.s32 $_size_execute0_lowered;
	s4 =	sadd.s32 s4, s6;
	[dreg:$0x0] =	wrdreg $0x0  }
0xa9: {  	s6 =	sshll.u32 s28, $0x1;
	[dreg:$0x2] =	wrdreg s4  }
0xaa: {  	[dreg:$0x3] =	wrdreg s6  }
0xab: {  	[dreg:$0x4] =	wrdreg $0xC0  }
0xac: {  	_ =	task [dreg:s8], $0x5FFFF  }
0xad: {  	[dreg:$0x1] =	wrdreg $0xFFFFFFFF  }
0xae: {  	[dreg:$0x0] =	wrdreg $0x60  }
0xaf: {  	[dreg:$0x2] =	wrdreg s2  }
0xb0: {  	[dreg:$0x3] =	wrdreg s24  }
0xb1: {  	[dreg:$0x4] =	wrdreg s18  }
0xb2: {  	[dreg:$0x5] =	wrdreg $0x9  }
0xb3: {  	_ =	task.clear_ibuf [dreg:s8], $0x6FFFF;
	_ =	strace $0x90000046  }
0xb4: {  	s29 =	simm.s32 $0x9;
	_ =	strace $0x80000048  }
0xb5: {  	_ =	swait.ge [sflag:s29], $0x1  }
0xb6: {  	[sflag:s29] =	ssyncadd.s32 $0xFFFFFFFF  }
0xb7: {  	_ =	strace $0x90000048  }
0xb8: {  	_ =	sfence  }
0xb9: {  	s30 =	sld [smem:$0x0];
	_ =	sdelay $0x2  }
0xba: {  	s31 =	sshll.u32 s1, $0xD;
	s1 =	sshrl.u32 s1, $0x2  }
0xbb: {  	s3 =	sand.u32 $0x4000, s31;
	s1 =	sadd.s32 s1, s30  }
0xbc: {  	s0 =	sor.u32 s3, s0;
	s1 =	sshll.u32 s1, $0x11  }
0xbd: {  	s0 =	sor.u32 s1, s0  }
0xbe: {  	s0 =	sadd.s32 $0x8F2B, s0  }
0xbf: {  	[sflag:s0] =	ssyncadd.remote.s32 $0x1  }
0xc0: {  	_ =	sfence.sel $0xFFFF  }
0xc1: {  	[dreg:$0x0] =	wrdreg $0xFFFFFFFF;
	(pc) =	sbr.abs _section_cstart, $3  }
0xc2: {  	[dreg:$0x1] =	wrdreg $0xFFFFFFFF  }
0xc3: {  	_ =	task.clear_ibuf [dreg:s8], $0x2FFFF;
	_ =	strace $0x9FFFFFFF  }
0xc4: {  	(tm) =	ssettm $0x7FFFFFFF  }
0xc5: {  	_ =	shalt  }
tec
execute0_lowered:
.L_overlay_start_1:
0x0: {  	(tag) =	ssettag $0x1  }
0x1: {  	s4 =	rddreg [dreg:$0x0]  }
0x2: {  	s5 =	rddreg [dreg:$0x1]  }
0x3: {  	s6 =	rddreg [dreg:$0x2]  }
0x4: {  	s0 =	rddreg [dreg:$0x3];
	s1 =	simm.s32 $0x0  }
0x5: {  	s2 =	srdreg.scid;
	s11 =	simm.s32 $0x80;
	s12 =	simm.s32 $0x400  }
0x6: {  	s13 =	simm.s32 $0x2400;
	s14 =	simm.s32 $0x100;
	s15 =	simm.s32 $0x4400  }
0x7: {  	s16 =	simm.s32 $0x180;
	s17 =	simm.s32 $0x6400;
	s18 =	simm.s32 $0x8400  }
0x8: {  	s19 =	simm.s32 $0x1;
	s20 =	simm.s32 $0x200;
	s21 =	simm.s32 $0x280  }
0x9: {  	s22 =	simm.s32 $0x300;
	s23 =	simm.s32 $0x380;
	s24 =	simm.s32 $0x0  }
0xa: {  	[smem:$0x7FF] =	sst s1;
	s3 =	sadd.s32 $0xF42A00, s5;
	s7 =	sand.u32 $0x1, s2  }
0xb: {  	s2 =	stileid.u32;
	_ =	strace $0x80000047;
	s8 =	sshll.u32 s7, $0xD  }
0xc: {  	s9 =	ssub.s32 $0x2, s7;
	s10 =	sshll.u32 s2, $0x1;
	s8 =	sadd.s32 s8, s5  }
0xd: {  	s30 =	sshrl.u32 s9, $0x1;
	s7 =	sor.u32 s7, s10;
	s10 =	simm.s32 $0x2  }
0xe: {  	s9 =	ssub.s32 s9, s30;
	s31 =	sshll.u32 s7, $0x7;
	s7 =	sshll.u32 s7, $0xD  }
0xf: {  	s5 =	sadd.s32 $0x600, s8;
	s4 =	sadd.s32 s4, s31;
	s6 =	sadd.s32 s6, s7  }
0x10: {  	s7 =	sadd.s32 $0x1600, s8;
	s9 =	smax.u32 s9, $0x1;
	s8 =	sadd.s32 $0x1000, s6  }
.LBB2_1:
0x11: {  	[tilespmem:s1], [sflag:$0x2] =	stream.linear.gather [hbm4b:s4+s1], $0x400, $0x38;
	[tilespmem:$0x10400] =	vst v63  }
0x12: {  	_ =	swait.ge [sflag:s10], $0x400  }
0x13: {  	[sflag:s10] =	ssyncset.done $0x0  }
0x14: {  	[sflag:s10] =	ssyncadd.s32 $0xFFFFFC00  }
0x15: {  	[tilespmem:s12], [sflag:$0x1] =	stream.indirect.gather [hbm4b:s3+s11], $0x40, s1, s11, $0xb8;
	[tilespmem:$0x10400] =	vst v63  }
0x16: {  	_ = 	snop  }
0x17: {  	[tilespmem:s13], [sflag:$0x1] =	stream.indirect.gather [hbm4b:s3+s11], $0x40, s11, s11, $0xb8;
	[tilespmem:$0x10400] =	vst v63  }
0x18: {  	_ = 	snop  }
0x19: {  	[tilespmem:s15], [sflag:$0x1] =	stream.indirect.gather [hbm4b:s3+s11], $0x40, s14, s11, $0xb8;
	[tilespmem:$0x10400] =	vst v63  }
0x1a: {  	_ = 	snop  }
0x1b: {  	[tilespmem:s17], [sflag:$0x1] =	stream.indirect.gather [hbm4b:s3+s11], $0x40, s16, s11, $0xb8;
	[tilespmem:$0x10400] =	vst v63  }
0x1c: {  	_ = 	snop  }
0x1d: {  	[tilespmem:s18], [sflag:$0x2] =	stream.linear.gather [hbm4b:s5+s1], $0x8000, $0x38;
	[tilespmem:$0x10400] =	vst v63  }
0x1e: {  	_ =	swait.ge [sflag:s10], $0x8000  }
0x1f: {  	[sflag:s10] =	ssyncset.done $0x0  }
0x20: {  	[sflag:s10] =	ssyncadd.s32 $0xFFFF8000  }
0x21: {  	_ =	swait.ge [sflag:s19], $0x2000  }
0x22: {  	[sflag:s19] =	ssyncset.done $0x0  }
0x23: {  	[sflag:s19] =	ssyncadd.s32 $0xFFFFE000  }
0x24: {  	_ =	swait.ge [sflag:s19], $0x2000  }
0x25: {  	[sflag:s19] =	ssyncset.done $0x0  }
0x26: {  	[sflag:s19] =	ssyncadd.s32 $0xFFFFE000  }
0x27: {  	_ =	swait.ge [sflag:s19], $0x2000  }
0x28: {  	[sflag:s19] =	ssyncset.done $0x0  }
0x29: {  	[sflag:s19] =	ssyncadd.s32 $0xFFFFE000  }
0x2a: {  	_ =	swait.ge [sflag:s19], $0x2000  }
0x2b: {  	[sflag:s19] =	ssyncset.done $0x0  }
0x2c: {  	s25 =	simm.s32 $0x0;
	[sflag:s19] =	ssyncadd.s32 $0xFFFFE000  }
0x2d: {  	v5 =	vld [tilespmem:s25+$0x8400]  }
0x2e: {  	v6 =	vld [tilespmem:s25+$0x8410]  }
0x2f: {  	v1 =	vld [tilespmem:s25+$0x8420]  }
0x30: {  	v0 =	vld [tilespmem:s25+$0x8430]  }
0x31: {  	v2 =	vld [tilespmem:s25+$0x400]  }
0x32: {  	v4 =	vld [tilespmem:s25+$0x410]  }
0x33: {  	s26 =	simm.s32 $0x100;
	v3 =	vld [tilespmem:s25+$0x420]  }
.LBB2_2:
0x34: {  	s28 =	sshra.s32 s26, $0x2;
	p0 =	sne.s32 s26, $0x1FF00;
	v7 =	vld [tilespmem:s25+$0x430];
	v8 =	vmov v1  }
0x35: {  	v9 =	vld [tilespmem:s28+$0x8400];
	v10 =	vmov v0  }
0x36: {  	v11 =	vld [tilespmem:s28+$0x8410];
	v2 =	vadd.f32 v5, v2  }
.Ltmp0:
0x37: {  	v1 =	vld [tilespmem:s28+$0x8420];
	v4 =	vadd.f32 v6, v4;
	(pc) =	sbr.rel @p0 .LBB2_2-.Ltmp0, $4  }
0x38: {  	v0 =	vld [tilespmem:s28+$0x8430];
	[tilespmem:s25+$0x400] =	vst v2;
	v3 =	vadd.f32 v8, v3  }
0x39: {  	v2 =	vld [tilespmem:s28+$0x400];
	[tilespmem:s25+$0x410] =	vst v4;
	v7 =	vadd.f32 v10, v7  }
0x3a: {  	v4 =	vld [tilespmem:s28+$0x410];
	[tilespmem:s25+$0x420] =	vst v3;
	v5 =	vmov v9  }
0x3b: {  	s26 =	sadd.s32 $0x100, s26;
	v3 =	vld [tilespmem:s28+$0x420];
	[tilespmem:s25+$0x430] =	vst v7;
	v6 =	vmov v11;
	s25 =	smov.u32 s28  }
0x3c: {  	v7 =	vld [tilespmem:s25+$0x430];
	_ =	sdelay $0x1  }
0x3d: {  	v2 =	vadd.f32 v5, v2  }
0x3e: {  	v4 =	vadd.f32 v6, v4  }
0x3f: {  	[tilespmem:s25+$0x400] =	vst v2;
	v1 =	vadd.f32 v1, v3  }
0x40: {  	[tilespmem:s25+$0x410] =	vst v4;
	v0 =	vadd.f32 v0, v7  }
0x41: {  	[tilespmem:s25+$0x420] =	vst v1  }
0x42: {  	s31 =	simm.s32 $0x0;
	[tilespmem:s25+$0x430] =	vst v0  }
0x43: {  	[hbm4b:s6+s31] =	stream.linear.scatter [tilespmem:s12], [sflag:$0x2], $0x8000, $0x38;
	[tilespmem:$0x10400] =	vst v63  }
0x44: {  	_ =	swait.ge [sflag:s10], $0x8000  }
0x45: {  	[sflag:s10] =	ssyncset.done $0x0  }
0x46: {  	[sflag:s10] =	ssyncadd.s32 $0xFFFF8000  }
0x47: {  	[tilespmem:s12], [sflag:$0x1] =	stream.indirect.gather [hbm4b:s3+s11], $0x40, s20, s11, $0xb8;
	[tilespmem:$0x10400] =	vst v63  }
0x48: {  	_ = 	snop  }
0x49: {  	[tilespmem:s13], [sflag:$0x1] =	stream.indirect.gather [hbm4b:s3+s11], $0x40, s21, s11, $0xb8;
	[tilespmem:$0x10400] =	vst v63  }
0x4a: {  	_ = 	snop  }
0x4b: {  	[tilespmem:s15], [sflag:$0x1] =	stream.indirect.gather [hbm4b:s3+s11], $0x40, s22, s11, $0xb8;
	[tilespmem:$0x10400] =	vst v63  }
0x4c: {  	_ = 	snop  }
0x4d: {  	[tilespmem:s17], [sflag:$0x1] =	stream.indirect.gather [hbm4b:s3+s11], $0x40, s23, s11, $0xb8;
	[tilespmem:$0x10400] =	vst v63  }
0x4e: {  	_ = 	snop  }
0x4f: {  	[tilespmem:s18], [sflag:$0x2] =	stream.linear.gather [hbm4b:s7+s31], $0x8000, $0x38;
	[tilespmem:$0x10400] =	vst v63  }
0x50: {  	_ =	swait.ge [sflag:s10], $0x8000  }
0x51: {  	[sflag:s10] =	ssyncset.done $0x0  }
0x52: {  	[sflag:s10] =	ssyncadd.s32 $0xFFFF8000  }
0x53: {  	_ =	swait.ge [sflag:s19], $0x2000  }
0x54: {  	[sflag:s19] =	ssyncset.done $0x0  }
0x55: {  	[sflag:s19] =	ssyncadd.s32 $0xFFFFE000  }
0x56: {  	_ =	swait.ge [sflag:s19], $0x2000  }
0x57: {  	[sflag:s19] =	ssyncset.done $0x0  }
0x58: {  	[sflag:s19] =	ssyncadd.s32 $0xFFFFE000  }
0x59: {  	_ =	swait.ge [sflag:s19], $0x2000  }
0x5a: {  	[sflag:s19] =	ssyncset.done $0x0  }
0x5b: {  	[sflag:s19] =	ssyncadd.s32 $0xFFFFE000  }
0x5c: {  	_ =	swait.ge [sflag:s19], $0x2000  }
0x5d: {  	[sflag:s19] =	ssyncset.done $0x0  }
0x5e: {  	s25 =	simm.s32 $0x0;
	[sflag:s19] =	ssyncadd.s32 $0xFFFFE000  }
0x5f: {  	v5 =	vld [tilespmem:s25+$0x8400]  }
0x60: {  	v6 =	vld [tilespmem:s25+$0x8410]  }
0x61: {  	v1 =	vld [tilespmem:s25+$0x8420]  }
0x62: {  	v0 =	vld [tilespmem:s25+$0x8430]  }
0x63: {  	v2 =	vld [tilespmem:s25+$0x400]  }
0x64: {  	v4 =	vld [tilespmem:s25+$0x410]  }
0x65: {  	s26 =	simm.s32 $0x100;
	v3 =	vld [tilespmem:s25+$0x420]  }
.LBB2_4:
0x66: {  	s28 =	sshra.s32 s26, $0x2;
	p0 =	sne.s32 s26, $0x1FF00;
	v7 =	vld [tilespmem:s25+$0x430];
	v8 =	vmov v1  }
0x67: {  	v9 =	vld [tilespmem:s28+$0x8400];
	v10 =	vmov v0  }
0x68: {  	v11 =	vld [tilespmem:s28+$0x8410];
	v2 =	vadd.f32 v5, v2  }
.Ltmp1:
0x69: {  	v1 =	vld [tilespmem:s28+$0x8420];
	v4 =	vadd.f32 v6, v4;
	(pc) =	sbr.rel @p0 .LBB2_4-.Ltmp1, $4  }
0x6a: {  	v0 =	vld [tilespmem:s28+$0x8430];
	[tilespmem:s25+$0x400] =	vst v2;
	v3 =	vadd.f32 v8, v3  }
0x6b: {  	v2 =	vld [tilespmem:s28+$0x400];
	[tilespmem:s25+$0x410] =	vst v4;
	v7 =	vadd.f32 v10, v7  }
0x6c: {  	v4 =	vld [tilespmem:s28+$0x410];
	[tilespmem:s25+$0x420] =	vst v3;
	v5 =	vmov v9  }
0x6d: {  	s26 =	sadd.s32 $0x100, s26;
	v3 =	vld [tilespmem:s28+$0x420];
	[tilespmem:s25+$0x430] =	vst v7;
	v6 =	vmov v11;
	s25 =	smov.u32 s28  }
0x6e: {  	v7 =	vld [tilespmem:s25+$0x430];
	_ =	sdelay $0x1  }
0x6f: {  	v2 =	vadd.f32 v5, v2  }
0x70: {  	v4 =	vadd.f32 v6, v4  }
0x71: {  	[tilespmem:s25+$0x400] =	vst v2;
	v1 =	vadd.f32 v1, v3  }
0x72: {  	s24 =	sadd.s32 $0x1, s24;
	[tilespmem:s25+$0x410] =	vst v4;
	v0 =	vadd.f32 v0, v7  }
0x73: {  	p0 =	sne.s32 s24, s9;
	[tilespmem:s25+$0x420] =	vst v1  }
.Ltmp2:
0x74: {  	[tilespmem:s25+$0x430] =	vst v0;
	(pc) =	sbr.rel @p0 .LBB2_1-.Ltmp2, $4  }
0x75: {  	[hbm4b:s8+s1] =	stream.linear.scatter [tilespmem:s12], [sflag:$0x2], $0x8000, $0x38;
	[tilespmem:$0x10400] =	vst v63  }
0x76: {  	_ =	swait.ge [sflag:s10], $0x8000  }
0x77: {  	[sflag:s10] =	ssyncset.done $0x0  }
0x78: {  	[sflag:s10] =	ssyncadd.s32 $0xFFFF8000  }
0x79: {  	_ =	sfence.sel $0x180000  }
0x7a: {  	[bflag:$0x0] =	sbarrier.arrive $0xFFFF  }
0x7b: {  	p0 =	sne.s32 s2, $0x0;
	_ =	strace $0x90000047  }
0x7c: {  	s0 =	sadd.s32 @!p0 $0x100000, s0;
	[bflag:$0x2] =	sbarrier.arrive $0xFFFF  }
0x7d: {  	[sflag:s0] =	ssyncadd.tile.s32 @!p0 $0x1;
	_ =	shalt  }
.Lfunc_end2:
_tile_overlayer_lowered:
.L_overlay_start_2:
0x7e: {  	(tag) =	ssettag $0x2  }
0x7f: {  	s0 =	rddreg [dreg:$0x0];
	s2 =	stileid.u32  }
0x80: {  	s1 =	rddreg [dreg:$0x1];
	p0 =	sne.s32 s2, $0x0  }
0x81: {  	s3 =	rddreg [dreg:$0x2];
	[bflag:$0x3] =	sbarrier.arrive $0xFFFF;
	s2 =	simm.s32 @!p0 $0x1C02  }
0x82: {  	[timem:s3], [sflag:s2] =	dma.local @!p0 [hbm:s0], s1  }
0x83: {  	s0 =	simm.s32 @!p0 $0x2  }
0x84: {  	_ =	swait.ge @!p0 [sflag:s0], s1  }
0x85: {  	s1 =	ssub.s32 @!p0 $0x0, s1;
	[sflag:s0] =	ssyncset.done @!p0 $0x0  }
0x86: {  	[sflag:s0] =	ssyncadd.s32 @!p0 s1  }
0x87: {  	[bflag:$0x3] =	sbarrier.arrive $0xFFFF  }
0x88: {  	_ =	shalt  }

</sc_bundles>
